<compile_context>
chip_gen: v7x
topology: tpu7x:2x2x1
jax: 0.10.2.dev20260603
libtpu: 0.0.44.dev20260713+nightly
codegen_flags: <defaults>
</compile_context>

<pallas_src>
import jax
import jax.numpy as jnp
from jax import lax
from jax.experimental import pallas as pl
from jax.experimental.pallas import tpu as pltpu
from jax.experimental.pallas import tpu_sc as plsc

BATCH = 4096
SEQ = 200
EMBED_DIM = 64
HIDDEN = 256
VOCAB = 1000000

NUM_CORES = 2
NUM_SUBCORES = 16
NUM_WORKERS = NUM_CORES * NUM_SUBCORES
ROWS_PER_W = BATCH // NUM_WORKERS

CHUNK0 = 128
CHUNK1 = SEQ - CHUNK0

VL = 16
VPR = EMBED_DIM // VL


def _gather_sum_body(x_hbm, emb_hbm, out_hbm, raw_v, idx_v, rows_v, acc_v,
                     sem0, sem1):
    wid = lax.axis_index("s") * NUM_CORES + lax.axis_index("c")
    base = wid * ROWS_PER_W

    pltpu.sync_copy(x_hbm.at[pl.ds(base, ROWS_PER_W)], raw_v)

    offs = tuple(range(0, SEQ - VL, VL)) + (SEQ - VL,)
    log_bt = BT.bit_length() - 1

    def remap_row(b, _):
        for o in offs:
            v = raw_v[b, pl.ds(o, VL)]
            p = jnp.bitwise_and(v, PAIR - 1)
            h = jnp.right_shift(p, log_bt)
            k = jnp.bitwise_and(p, BT - 1)
            q = jnp.bitwise_or(
                jnp.left_shift(jnp.bitwise_and(k, BT // 2 - 1), 2),
                jnp.bitwise_or(
                    jnp.left_shift(jnp.right_shift(k, log_bt - 1), 1), h),
            )
            idx_v[b, pl.ds(o, VL)] = jnp.bitwise_or(
                jnp.bitwise_and(v, ~(PAIR - 1)), q
            )
        return 0

    lax.fori_loop(0, ROWS_PER_W, remap_row, 0)

    sems = (sem0, sem1)

    def start_gather(b, buf, sem):
        pltpu.async_copy(
            emb_hbm.at[idx_v.at[b, pl.ds(0, CHUNK0)]],
            rows_v.at[buf, pl.ds(0, CHUNK0)],
            sem,
        )
        pltpu.async_copy(
            emb_hbm.at[idx_v.at[b, pl.ds(CHUNK0, CHUNK1)]],
            rows_v.at[buf, pl.ds(CHUNK0, CHUNK1)],
            sem,
        )

    def wait_gather(b, buf, sem):
        pltpu.make_async_copy(
            emb_hbm.at[idx_v.at[b, pl.ds(0, CHUNK0)]],
            rows_v.at[buf, pl.ds(0, CHUNK0)],
            sem,
        ).wait()
        pltpu.make_async_copy(
            emb_hbm.at[idx_v.at[b, pl.ds(CHUNK0, CHUNK1)]],
            rows_v.at[buf, pl.ds(CHUNK0, CHUNK1)],
            sem,
        ).wait()

    start_gather(0, 0, sem0)

    def row_body(b, _):
        buf = lax.rem(b, 2)

        @pl.when(b + 1 < ROWS_PER_W)
        def _():
            @pl.when(buf == 0)
            def _():
                start_gather(b + 1, 1, sem1)

            @pl.when(buf == 1)
            def _():
                start_gather(b + 1, 0, sem0)

        @pl.when(buf == 0)
        def _():
            wait_gather(b, 0, sem0)

        @pl.when(buf == 1)
        def _():
            wait_gather(b, 1, sem1)

        def sum_body(j, acc):
            a0, a1, a2, a3 = acc
            w0 = rows_v[buf, j, pl.ds(0, VL)]
            w1 = rows_v[buf, j, pl.ds(VL, VL)]
            a0 = a0 + plsc.bitcast(jnp.left_shift(w0, 16), jnp.float32)
            a1 = a1 + plsc.bitcast(jnp.bitwise_and(w0, -65536), jnp.float32)
            a2 = a2 + plsc.bitcast(jnp.left_shift(w1, 16), jnp.float32)
            a3 = a3 + plsc.bitcast(jnp.bitwise_and(w1, -65536), jnp.float32)
            return (a0, a1, a2, a3)

        zero = jnp.zeros((VL,), jnp.float32)
        acc = lax.fori_loop(0, SEQ, sum_body, (zero,) * VPR, unroll=8)
        for c in range(VPR):
            acc_v[b, pl.ds(c * VL, VL)] = acc[c]
        return 0

    lax.fori_loop(0, ROWS_PER_W, row_body, 0)

    pltpu.sync_copy(acc_v, out_hbm.at[pl.ds(base, ROWS_PER_W)])


@jax.jit
def _gather_sum(x, emb):
    mesh = plsc.VectorSubcoreMesh(
        core_axis_name="c", subcore_axis_name="s",
        num_cores=NUM_CORES, num_subcores=NUM_SUBCORES,
    )
    return pl.kernel(
        _gather_sum_body,
        out_type=jax.ShapeDtypeStruct((BATCH, EMBED_DIM), jnp.float32),
        mesh=mesh,
        compiler_params=pltpu.CompilerParams(use_tc_tiling_on_sc=False,
                                             needs_layout_passes=False),
        scratch_types=[
            pltpu.VMEM((ROWS_PER_W, SEQ), jnp.int32),
            pltpu.VMEM((ROWS_PER_W, SEQ), jnp.int32),
            pltpu.VMEM((2, SEQ, EMBED_DIM // 2), jnp.int32),
            pltpu.VMEM((ROWS_PER_W, EMBED_DIM), jnp.float32),
            pltpu.SemaphoreType.DMA,
            pltpu.SemaphoreType.DMA,
        ],
    )(x, emb)


BT = 8192
PAIR = 2 * BT
N_PAIRS = (VOCAB + PAIR - 1) // PAIR
ROWS_OUT = N_PAIRS * PAIR


import numpy as _np

_PERM_MAT = _np.zeros((128, 128), _np.float32)
for _half in (0, 64):
    for _l in range(32):
        _PERM_MAT[_half + 2 * _l, _half + _l] = 1.0
        _PERM_MAT[_half + 2 * _l + 1, _half + 32 + _l] = 1.0


def _transpose_body(x0_ref, x1_ref, pmat_ref, out_ref):
    y = jnp.concatenate([x0_ref[...], x1_ref[...]], axis=0)
    yb = y.astype(jnp.bfloat16)
    z = jnp.dot(yb.T, pmat_ref[...], preferred_element_type=jnp.float32)
    u = jax.lax.bitcast_convert_type(z, jnp.uint32)
    r = jnp.right_shift(u, 16)
    lo = jax.lax.slice_in_dim(r, 0, 32, axis=1)
    hi = jax.lax.slice_in_dim(r, 32, 64, axis=1)
    lo2 = jax.lax.slice_in_dim(r, 64, 96, axis=1)
    hi2 = jax.lax.slice_in_dim(r, 96, 128, axis=1)
    w = jnp.concatenate(
        [jnp.bitwise_or(lo, jnp.left_shift(hi, 16)),
         jnp.bitwise_or(lo2, jnp.left_shift(hi2, 16))], axis=1)
    out_ref[...] = jax.lax.bitcast_convert_type(
        jnp.concatenate([w[: BT // 2, :], w[BT // 2:, :]], axis=1), jnp.int32)


@jax.jit
def _linearize_table(embT):
    packed = pl.pallas_call(
        _transpose_body,
        grid=(N_PAIRS,),
        in_specs=[
            pl.BlockSpec((EMBED_DIM, BT), lambda i: (0, 2 * i)),
            pl.BlockSpec((EMBED_DIM, BT),
                         lambda i: (0, jnp.minimum(2 * i + 1, 2 * N_PAIRS - 2))),
            pl.BlockSpec((128, 128), lambda i: (0, 0)),
        ],
        out_specs=pl.BlockSpec((BT // 2, 128), lambda i: (i, 0)),
        out_shape=jax.ShapeDtypeStruct((N_PAIRS * BT // 2, 128), jnp.int32),
        compiler_params=pltpu.CompilerParams(
            fuse_transposed_lhs_in_matmul=True),
    )(embT, embT, jnp.asarray(_PERM_MAT, dtype=jnp.bfloat16))
    return packed.reshape(N_PAIRS * BT * 64).reshape(ROWS_OUT, 32)


def _mlp_body(summed_ref, x_ref, emb0_ref, w1_ref, b1_ref, w2_ref, b2_ref,
              out_ref):
    xb = x_ref[...]
    nnz = jnp.sum((xb != 0).astype(jnp.float32), axis=1, keepdims=True)
    n_zeros = jnp.float32(SEQ) - nnz
    avg = (summed_ref[...] - n_zeros * emb0_ref[...]) / nnz
    h = jnp.dot(avg, w1_ref[...], preferred_element_type=jnp.float32)
    h = jnp.maximum(h + b1_ref[...], 0.0)
    logits = jnp.dot(h, w2_ref[...], preferred_element_type=jnp.float32)
    logits = logits + b2_ref[...]
    m = jnp.max(logits, axis=1, keepdims=True)
    lse = m + jnp.log(jnp.sum(jnp.exp(logits - m), axis=1, keepdims=True))
    out_ref[...] = logits - lse


@jax.jit
def _mlp(summed, x, emb0, w1t, b1, w2t, b2):
    blk = 512
    grid = BATCH // blk
    return pl.pallas_call(
        _mlp_body,
        grid=(grid,),
        in_specs=[
            pl.BlockSpec((blk, EMBED_DIM), lambda i: (i, 0)),
            pl.BlockSpec((blk, SEQ), lambda i: (i, 0)),
            pl.BlockSpec((1, EMBED_DIM), lambda i: (0, 0)),
            pl.BlockSpec((EMBED_DIM, HIDDEN), lambda i: (0, 0)),
            pl.BlockSpec((1, HIDDEN), lambda i: (0, 0)),
            pl.BlockSpec((HIDDEN, 2), lambda i: (0, 0)),
            pl.BlockSpec((1, 2), lambda i: (0, 0)),
        ],
        out_specs=pl.BlockSpec((blk, 2), lambda i: (i, 0)),
        out_shape=jax.ShapeDtypeStruct((BATCH, 2), jnp.float32),
    )(summed, x, emb0, w1t, b1, w2t, b2)


_COL_PERM = (tuple(range(0, 32, 2)) + tuple(range(1, 32, 2))
             + tuple(range(32, 64, 2)) + tuple(range(33, 64, 2)))


def kernel(x, emb, W1, b1, W2, b2):
    x = x.astype(jnp.int32)
    embL = _linearize_table(emb.T)
    summed = _gather_sum(x, embL)
    perm = jnp.asarray(_COL_PERM, dtype=jnp.int32)
    w = lax.slice(embL, (0, 0), (1, EMBED_DIM // 2))
    ev = lax.bitcast_convert_type(jnp.left_shift(w, 16), jnp.float32)
    od = lax.bitcast_convert_type(jnp.bitwise_and(w, -65536), jnp.float32)
    emb0 = jnp.concatenate(
        [ev[:, 0:16], od[:, 0:16], ev[:, 16:32], od[:, 16:32]], axis=1)
    w1t = W1.T[perm, :]
    return _mlp(summed, x, emb0, w1t, b1[None, :], W2.T, b2[None, :])

# --- scband reference (transcript-rebuilt; emitter-appended) ---
"""Pipeline reference for scband-nn2-dan-18167711662170 (READ-ONLY COPY).

The authoritative reference and input builder live on the scoring server;
editing this copy changes nothing except your own understanding.
"""

import jax, jax.numpy as jnp
import numpy as np

VOCAB = 1000000
EMBED_DIM = 64
HIDDEN = 256
BATCH = 4096
SEQ = 200

def setup_inputs(seed: int = 0) -> dict:
    key = jax.random.key(seed)
    k_x, k_emb, k_w1, k_b1, k_w2, k_b2 = jax.random.split(key, 6)
    x = jax.random.randint(k_x, (BATCH, SEQ), 0, VOCAB, dtype=jnp.int64 if jax.config.jax_enable_x64 else jnp.int32)
    emb = jax.random.normal(k_emb, (VOCAB, EMBED_DIM), dtype=jnp.float32) * 0.02
    # torch nn.Linear: weight [out, in], bias [out]
    W1 = jax.random.normal(k_w1, (HIDDEN, EMBED_DIM), dtype=jnp.float32) * (1.0 / np.sqrt(EMBED_DIM))
    b1 = jax.random.normal(k_b1, (HIDDEN,), dtype=jnp.float32) * 0.01
    W2 = jax.random.normal(k_w2, (2, HIDDEN), dtype=jnp.float32) * (1.0 / np.sqrt(HIDDEN))
    b2 = jax.random.normal(k_b2, (2,), dtype=jnp.float32) * 0.01
    return {"x": x, "emb": emb, "W1": W1, "b1": b1, "W2": W2, "b2": b2}

def reference(x, emb, W1, b1, W2, b2):
    # embedding lookup (gather)
    embedded = jnp.take(emb, x, axis=0)  # [B, S, D]
    mask = (x != 0).astype(jnp.float32)  # [B, S]
    summed = jnp.sum(embedded * mask[..., None], axis=1)  # [B, D]
    lengths = jnp.sum(mask, axis=1, keepdims=True)  # [B, 1]
    averaged = summed / lengths
    h = jax.nn.relu(averaged @ W1.T + b1)
    logits = h @ W2.T + b2
    return jax.nn.log_softmax(logits, axis=1)

if __name__ == "__main__":
    import jax
    _d = setup_inputs()
    print(jax.jit(kernel)(*tuple(_d.values())))

</pallas_src>

<mosaic_0001>
module attributes {stable_mosaic.version = 14 : i64} {
  func.func @_transpose_body(%arg0: i32, %arg1: memref<64x8192xf32, #tpu.memory_space<vmem>>, %arg2: memref<64x8192xf32, #tpu.memory_space<vmem>>, %arg3: memref<128x128xbf16, #tpu.memory_space<vmem>>, %arg4: memref<4096x128xi32, #tpu.memory_space<vmem>>) attributes {dimension_semantics = [#tpu.dimension_semantics<arbitrary>], iteration_bounds = array<i64: 62>, scalar_prefetch = 0 : i64, scratch_operands = 0 : i64, tpu.core_type = #tpu.core_type<tc>, window_params = [{transform_indices = @transform_0, window_bounds = array<i64: 64, 8192>}, {transform_indices = @transform_1, window_bounds = array<i64: 64, 8192>}, {pipeline_mode = #tpu.pipeline_mode<synchronous>, transform_indices = @transform_2, window_bounds = array<i64: 128, 128>}, {transform_indices = @transform_3, window_bounds = array<i64: 4096, 128>}]} {
    %get3A = arith.constant 0 : index
    %get3A_0 = arith.constant 0 : index
    %get3A_1 = vector.load %arg1[%get3A, %get3A_0] : memref<64x8192xf32, #tpu.memory_space<vmem>>, vector<64x8192xf32>
    %get3A_2 = arith.constant 0 : index
    %get3A_3 = arith.constant 0 : index
    %get3A_4 = vector.load %arg2[%get3A_2, %get3A_3] : memref<64x8192xf32, #tpu.memory_space<vmem>>, vector<64x8192xf32>
    %concatenate3A = tpu.concatenate %get3A_1, %get3A_4 in 0 : vector<64x8192xf32>, vector<64x8192xf32> -> vector<128x8192xf32>
    %convert_element_type3A = arith.truncf %concatenate3A : vector<128x8192xf32> to vector<128x8192xbf16>
    %transpose3A = tpu.transpose %convert_element_type3A, [1, 0] : vector<128x8192xbf16> -> vector<8192x128xbf16>
    %get3A_5 = arith.constant 0 : index
    %get3A_6 = arith.constant 0 : index
    %get3A_7 = vector.load %arg3[%get3A_5, %get3A_6] : memref<128x128xbf16, #tpu.memory_space<vmem>>, vector<128x128xbf16>
    %dot_general3A = arith.constant dense<0.000000e+00> : vector<8192x128xf32>
    %dot_general3A_8 = tpu.matmul %transpose3A, %get3A_7, %dot_general3A {dimension_numbers = #tpu.dot_dimension_numbers<[1], [0], [0], [1], [0, 0, 1, 1], [], []>, transpose_lhs_hint = false} : vector<8192x128xbf16>, vector<128x128xbf16>, vector<8192x128xf32> -> vector<8192x128xf32>
    %bitcast_convert_type3A = tpu.bitcast %dot_general3A_8 : vector<8192x128xf32> -> vector<8192x128xi32>
    %shift_right_logical3A = arith.constant 16 : i32
    %shift_right_logical3A_9 = vector.broadcast %shift_right_logical3A : i32 to vector<8192x128xi32>
    %shift_right_logical3A_10 = arith.shrui %bitcast_convert_type3A, %shift_right_logical3A_9 : vector<8192x128xi32>
    %slice3A = vector.extract_strided_slice %shift_right_logical3A_10 {offsets = [0, 0], sizes = [8192, 32], strides = [1, 1]} : vector<8192x128xi32> to vector<8192x32xi32>
    %slice3A_11 = vector.extract_strided_slice %shift_right_logical3A_10 {offsets = [0, 32], sizes = [8192, 32], strides = [1, 1]} : vector<8192x128xi32> to vector<8192x32xi32>
    %slice3A_12 = vector.extract_strided_slice %shift_right_logical3A_10 {offsets = [0, 64], sizes = [8192, 32], strides = [1, 1]} : vector<8192x128xi32> to vector<8192x32xi32>
    %slice3A_13 = vector.extract_strided_slice %shift_right_logical3A_10 {offsets = [0, 96], sizes = [8192, 32], strides = [1, 1]} : vector<8192x128xi32> to vector<8192x32xi32>
    %shift_left3A = arith.constant 16 : i32
    %shift_left3A_14 = vector.broadcast %shift_left3A : i32 to vector<8192x32xi32>
    %shift_left3A_15 = arith.shli %slice3A_11, %shift_left3A_14 : vector<8192x32xi32>
    %or3A = arith.ori %slice3A, %shift_left3A_15 : vector<8192x32xi32>
    %shift_left3A_16 = arith.constant 16 : i32
    %shift_left3A_17 = vector.broadcast %shift_left3A_16 : i32 to vector<8192x32xi32>
    %shift_left3A_18 = arith.shli %slice3A_13, %shift_left3A_17 : vector<8192x32xi32>
    %or3A_19 = arith.ori %slice3A_12, %shift_left3A_18 : vector<8192x32xi32>
    %concatenate3A_20 = tpu.concatenate %or3A, %or3A_19 in 1 : vector<8192x32xi32>, vector<8192x32xi32> -> vector<8192x64xi32>
    %slice3A_21 = vector.extract_strided_slice %concatenate3A_20 {offsets = [0, 0], sizes = [4096, 64], strides = [1, 1]} : vector<8192x64xi32> to vector<4096x64xi32>
    %slice3A_22 = vector.extract_strided_slice %concatenate3A_20 {offsets = [4096, 0], sizes = [4096, 64], strides = [1, 1]} : vector<8192x64xi32> to vector<4096x64xi32>
    %concatenate3A_23 = tpu.concatenate %slice3A_21, %slice3A_22 in 1 : vector<4096x64xi32>, vector<4096x64xi32> -> vector<4096x128xi32>
    %bitcast_convert_type3A_24 = tpu.bitcast %concatenate3A_23 : vector<4096x128xi32> -> vector<4096x128xi32>
    %swap3A = arith.constant 0 : index
    %swap3A_25 = arith.constant 0 : index
    %swap3A_26 = vector.load %arg4[%swap3A, %swap3A_25] : memref<4096x128xi32, #tpu.memory_space<vmem>>, vector<4096x128xi32>
    tpu.vector_store %arg4[%swap3A, %swap3A_25], %bitcast_convert_type3A_24 {strides = array<i32>} : memref<4096x128xi32, #tpu.memory_space<vmem>>, vector<4096x128xi32>,
    return
  }
  func.func @transform_0(%arg0: i32) -> (i32, i32) {
    %mul3A = arith.constant 2 : i32
    %mul3A_0 = arith.muli %mul3A, %arg0 : i32
    %c0_i32 = arith.constant 0 : i32
    %c0_i32_1 = arith.constant 0 : i32
    return %c0_i32, %mul3A_0 : i32, i32
  }
  func.func @transform_1(%arg0: i32) -> (i32, i32) {
    %mul3A = arith.constant 2 : i32
    %mul3A_0 = arith.muli %mul3A, %arg0 : i32
    %add3A = arith.constant 1 : i32
    %add3A_1 = arith.addi %mul3A_0, %add3A : i32
    %min3A = arith.constant 122 : i32
    %min3A_2 = arith.minsi %add3A_1, %min3A : i32
    %c0_i32 = arith.constant 0 : i32
    %c0_i32_3 = arith.constant 0 : i32
    return %c0_i32, %min3A_2 : i32, i32
  }
  func.func @transform_2(%arg0: i32) -> (i32, i32) {
    %c0_i32 = arith.constant 0 : i32
    %c0_i32_0 = arith.constant 0 : i32
    %c0_i32_1 = arith.constant 0 : i32
    return %c0_i32, %c0_i32_0 : i32, i32
  }
  func.func @transform_3(%arg0: i32) -> (i32, i32) {
    %c0_i32 = arith.constant 0 : i32
    %c0_i32_0 = arith.constant 0 : i32
    return %arg0, %c0_i32 : i32, i32
  }
}

</mosaic_0001>

<sc_bundles>
// kernel: sparse-core-data-format-call.cloned.1.call-start
scs
called_computation_lowered:
.L_overlay_start_0:
0x0: {  	s2 =	sld [smem:$0x3FD9]  }
0x1: {  	s3 =	sld [smem:$0x3FFE];
	_ =	sdelay $0x1  }
0x2: {  	s1 =	srdreg.scid  }
0x3: {  	s0 =	sand.u32 $0x1, s1  }
0x4: {  	s18 =	sshll.u32 s0, $0xA;
	s2 =	sadd.s32 s3, s2  }
0x5: {  	s2 =	sadd.s32 s2, s18  }
0x6: {  	[smem:$0x3FC7] =	sst s2  }
0x7: {  	_ = 	snop  }
0x8: {  	s2 =	sld [smem:$0x3FD0];
	(tm) =	ssettm $0x1  }
0x9: {  	s19 =	sld [smem:$0x3FFB];
	_ =	sdelay $0x3  }
0xa: {  	_ =	strace s19  }
0xb: {  	s3 =	sld [smem:$0x3FFC];
	_ =	sdelay $0x3  }
0xc: {  	_ =	strace s3  }
0xd: {  	s3 =	sld [smem:$0x3FFD];
	_ =	sdelay $0x3  }
0xe: {  	_ =	strace s3  }
0xf: {  	_ =	strace $0x8FFFFFFF  }
0x10: {  	s20 =	sld [smem:$0x3FDB];
	_ =	sdelay $0x1  }
0x11: {  	s4 =	simm.s32 $_scs_section_size  }
0x12: {  	s5 =	simm.s32 $_size__tile_overlayer_lowered;
	s6 =	simm.s32 $_tile_overlayer_lowered  }
0x13: {  	s23 =	simm.s32 $0x1BFF;
	s22 =	sshll.u32 s6, $0x1;
	s3 =	sadd.s32 s4, s20  }
0x14: {  	s7 =	simm.s32 $0x0;
	s21 =	sshll.u32 s5, $0x1;
	s5 =	sadd.s32 s22, s3  }
0x15: {  	[timem:s7], [sflag:s23] =	dma.local [hbm:s5], s21  }
0x16: {  	_ =	swait.ge [sflag:s23], s21  }
0x17: {  	s4 =	ssub.s32 $0x0, s21;
	[sflag:s23] =	ssyncset.done $0x0  }
0x18: {  	[sflag:s23] =	ssyncadd.s32 s4;
	_ =	sdelay $0x1  }
0x19: {  	s24 =	simm.s32 $0x1B8B  }
0x1a: {  	_ =	swait.ge [sflag:s24], $0x1  }
0x1b: {  	[sflag:s24] =	ssyncset.done $0x0  }
0x1c: {  	s26 =	simm.s32 $0x1B8E;
	s25 =	sld [smem:$0x3FFE];
	[sflag:s24] =	ssyncadd.s32 $0xFFFFFFFF  }
0x1d: {  	s27 =	simm.s32 $execute0_lowered;
	[smem:$0x3FD2] =	sst s26  }
0x1e: {  	s5 =	sshll.u32 s27, $0x1;
	_ =	strace $0x80000046;
	[dreg:$0x1] =	wrdreg $0xFFFFFFFF  }
0x1f: {  	s28 =	simm.s32 $_size_execute0_lowered;
	s3 =	sadd.s32 s3, s5;
	[dreg:$0x0] =	wrdreg $0x0  }
0x20: {  	s5 =	sshll.u32 s28, $0x1;
	[dreg:$0x2] =	wrdreg s3  }
0x21: {  	[dreg:$0x3] =	wrdreg s5  }
0x22: {  	[dreg:$0x4] =	wrdreg $0xC0  }
0x23: {  	_ =	task [dreg:s7], $0x5FFFF  }
0x24: {  	[dreg:$0x1] =	wrdreg $0xFFFFFFFF  }
0x25: {  	[dreg:$0x0] =	wrdreg $0x60  }
0x26: {  	[dreg:$0x2] =	wrdreg s25  }
0x27: {  	[dreg:$0x3] =	wrdreg s2  }
0x28: {  	[dreg:$0x4] =	wrdreg $0x9  }
0x29: {  	_ =	task.clear_ibuf [dreg:s7], $0x5FFFF;
	_ =	strace $0x90000046  }
0x2a: {  	s29 =	simm.s32 $0x9;
	_ =	strace $0x80000048  }
0x2b: {  	_ =	swait.ge [sflag:s29], $0x1  }
0x2c: {  	[sflag:s29] =	ssyncadd.s32 $0xFFFFFFFF  }
0x2d: {  	_ =	strace $0x90000048  }
0x2e: {  	_ =	sfence  }
0x2f: {  	s30 =	sld [smem:$0x0];
	_ =	sdelay $0x2  }
0x30: {  	s31 =	sshll.u32 s1, $0xD;
	s1 =	sshrl.u32 s1, $0x2  }
0x31: {  	s3 =	sand.u32 $0x4000, s31;
	s1 =	sadd.s32 s1, s30  }
0x32: {  	s0 =	sor.u32 s3, s0;
	s1 =	sshll.u32 s1, $0x11  }
0x33: {  	s0 =	sor.u32 s1, s0  }
0x34: {  	s0 =	sadd.s32 $0x8F2B, s0  }
0x35: {  	[sflag:s0] =	ssyncadd.remote.s32 $0x1  }
0x36: {  	_ =	sfence.sel $0xFFFF  }
0x37: {  	[dreg:$0x0] =	wrdreg $0xFFFFFFFF;
	(pc) =	sbr.abs _section_cstart, $3  }
0x38: {  	[dreg:$0x1] =	wrdreg $0xFFFFFFFF  }
0x39: {  	_ =	task.clear_ibuf [dreg:s7], $0x2FFFF;
	_ =	strace $0x9FFFFFFF  }
0x3a: {  	(tm) =	ssettm $0x7FFFFFFF  }
0x3b: {  	_ =	shalt  }
tec
execute0_lowered:
.L_overlay_start_1:
0x0: {  	(tag) =	ssettag $0x1  }
0x1: {  	s0 =	srdreg.scid  }
0x2: {  	s1 =	sshll.u32 s0, $0x4  }
0x3: {  	s4 =	rddreg [dreg:$0x0];
	s0 =	stileid.u32;
	s1 =	sand.u32 $0x10, s1  }
0x4: {  	s2 =	rddreg [dreg:$0x1];
	s7 =	simm.s32 $0x1;
	s1 =	sor.u32 s0, s1  }
0x5: {  	s8 =	simm.s32 $0x2;
	s11 =	simm.s32 $0x0;
	s3 =	sshll.u32 s1, $0x7  }
0x6: {  	s10 =	simm.s32 $0x0;
	s4 =	sadd.s32 $0x600, s4;
	s6 =	ssub.s32 $0xF8000, s3  }
.Ltmp0:
0x7: {  	s1 =	rddreg [dreg:$0x2];
	s5 =	sand.u32 $0xF80, s6;
	(pc) =	sbr.rel .LBB1_1-.Ltmp0, $4  }
0x8: {  	_ =	strace $0x80000047;
	s9 =	smov.u32 s3;
	p0 =	sne.s32 s5, $0x0  }
0x9: {  	s6 =	sshrl.u32 s6, $0xC;
	s5 =	simm.s32 $0x1;
	s7 =	simm.s32 @!p0 $0x0  }
0xa: {  	[sflag:s5] =	ssyncpa.u1 $0x0;
	p0 =	por $0x0, $0x0;
	s6 =	sadd.s32 s7, s6  }
0xb: {  	[sflag:s8] =	ssyncpa.u1 $0x0;
	s8 =	simm.s32 $0x7C0000;
	s7 =	sadd.s32 $0x1, s6  }
.LBB1_4:
0xc: {  	s14 =	sshll.u32 s11, $0x3  }
0xd: {  	s15 =	sshrl.u32 s14, $0xF  }
0xe: {  	s15 =	smulhi.u32 $0x8421085, s15;
	_ =	sdelay $0x1  }
0xf: {  	s28 =	sand.u32 $0x7F, s11;
	s14 =	sand.u32 $0xFFFFFC00, s14;
	s16 =	smul.u32 $0xF8000, s15  }
0x10: {  	s11 =	sor.u32 s28, s14;
	s29 =	sand.u32 $0x1F, s15  }
0x11: {  	s14 =	smul.u32 $0x1F000, s29;
	s11 =	ssub.s32 s11, s16  }
0x12: {  	s30 =	sand.u32 $0x7, s11  }
0x13: {  	s11 =	sshrl.u32 s11, $0x3;
	s14 =	sadd.s32 s2, s14;
	s15 =	sshll.u32 s30, $0x12  }
0x14: {  	[tilespmem:s13+$0x0 ss:$0x81] =	vst.msk $0xffff, v0;
	s11 =	sadd.s32 s11, s14;
	s31 =	sor.u32 $0x400, s15  }
0x15: {  	[hbm4b:s11+s31] =	stream.strided.scatter [tilespmem:s12], [sflag:$0x2], $0x1000, s8, s31, $0x20;
	[tilespmem:$0x4040] =	vst v63  }
.LBB1_5:
0x16: {  	s13 =	sadd.s32 $0x1000, s9  }
0x17: {  	p2 =	sgt.s32 s13, $0xF7FFF  }
0x18: {  	s13 =	smov.u32 @p2 s3;
	p2 =	sne.s32 s10, s7  }
.Ltmp1:
0x19: {  	p1 =	slt.u32 s10, $0x2;
	(pc) =	sbr.rel @!p2 .LBB1_6-.Ltmp1, $4  }
0x1a: {  	s12 =	simm.s32 @!p1 $0x2  }
0x1b: {  	s14 =	sadd.s32 $0x1, s10;
	_ =	swait.ge @!p1 [sflag:s12], $0x1000  }
0x1c: {  	s11 =	smov.u32 s9;
	p0 =	por !p0, !p0;
	[sflag:s12] =	ssyncset.done @!p1 $0x0  }
0x1d: {  	s10 =	smov.u32 s14;
	s9 =	smov.u32 s13;
	[sflag:s12] =	ssyncadd.s32 @!p1 $0xFFFFF000  }
.LBB1_1:
0x1e: {  	p1 =	sge.u32 s10, s6  }
0x1f: {  	s12 =	sand.u32 @!p1 $0x1FFFFFF, s9  }
0x20: {  	s13 =	smulhi.u32 @!p1 $0x1084211, s12;
	_ =	sdelay $0x1  }
0x21: {  	s13 =	sshrl.u32 @!p1 s13, $0xC  }
0x22: {  	s13 =	smul.u32 @!p1 $0xF8000, s13;
	_ =	sdelay $0x1  }
0x23: {  	s31 =	sadd.s32 $0xFFFFFFFF, s10;
	s14 =	sxor.u32 @!p1 $0xFFFFFFFF, s10;
	s12 =	ssub.s32 @!p1 s12, s13  }
0x24: {  	s15 =	simm.s32 @!p1 $0x80;
	s14 =	sshll.u32 @!p1 s14, $0xC;
	s12 =	sshll.u32 @!p1 s12, $0x4  }
0x25: {  	s13 =	sand.u32 @!p1 $0x1000, s14;
	s14 =	simm.s32 @!p1 $0x20;
	s12 =	sadd.s32 @!p1 s4, s12  }
0x26: {  	[tilespmem:s13], [sflag:$0x1] =	stream.strided.gather @!p1 [hbm4b:s12+s14], $0x1000, s15, s14, $0x38;
	[tilespmem:$0x4040] =	vst v63  }
0x27: {  	p1 =	sge.u32 s31, s6  }
.Ltmp2:
0x28: {  	_ = 	snop;
	(pc) =	sbr.rel @p1 .LBB1_5-.Ltmp2, $1  }
0x29: {  	_ =	sdelay $0x3  }
0x2a: {  	s12 =	simm.s32 $0x1  }
0x2b: {  	_ =	swait.ge [sflag:s5], $0x1000;
	s12 =	simm.s32 @!p0 $0x0  }
0x2c: {  	[sflag:s5] =	ssyncset.done $0x0;
	s13 =	sshll.u32 s12, $0xC  }
0x2d: {  	[sflag:s5] =	ssyncadd.s32 $0xFFFFF000;
	s16 =	sor.u32 $0x10, s13  }
0x2e: {  	s12 =	smul.u32 $0x4080, s12;
	v1 =	vld [tilespmem:s16+$0x0]  }
0x2f: {  	s30 =	sand.u32 $0x1, s10;
	v0 =	vld [tilespmem:s16+$0xFFFFFFF0]  }
0x30: {  	s13 =	smul.u32 $0x4080, s30;
	s12 =	sshrl.u32 s12, $0x2  }
0x31: {  	s14 =	sor.u32 $0x2000, s12  }
0x32: {  	s31 =	sshrl.u32 s13, $0x2;
	s13 =	sadd.s32 $0x0, s14  }
0x33: {  	s15 =	simm.s32 $0x4;
	s16 =	sadd.s32 $0x20, s16;
	s12 =	sor.u32 $0x2000, s31;
	[tilespmem:s13+$0x810 ss:$0x81] =	vst.msk $0xffff, v1  }
.LBB1_3:
0x34: {  	v1 =	vld [tilespmem:s16+$0x0];
	p1 =	sne.s32 s15, $0x1FC;
	[tilespmem:s13+$0x0 ss:$0x81] =	vst.msk $0xffff, v0;
	s13 =	smov.u32 s15;
	s15 =	sadd.s32 $0x4, s15  }
.Ltmp3:
0x35: {  	v0 =	vld [tilespmem:s16+$0xFFFFFFF0];
	(pc) =	sbr.rel @p1 .LBB1_3-.Ltmp3, $4  }
0x36: {  	_ = 	snop  }
0x37: {  	s13 =	sshra.s32 s13, $0x2  }
0x38: {  	s13 =	sadd.s32 s13, s14  }
0x39: {  	s16 =	sadd.s32 $0x20, s16;
	[tilespmem:s13+$0x810 ss:$0x81] =	vst.msk $0xffff, v1  }
.Ltmp4:
0x3a: {  	_ = 	snop;
	(pc) =	sbr.rel .LBB1_4-.Ltmp4, $1  }
0x3b: {  	_ =	sdelay $0x3  }
.LBB1_6:
0x3c: {  	_ =	sfence.sel $0x180000  }
0x3d: {  	s2 =	simm.s32 $0x1;
	[bflag:$0x0] =	sbarrier.arrive $0xFFFF  }
0x3e: {  	s31 =	simm.s32 $0x2;
	[sflag:s2] =	ssyncpa.u1 $0x1  }
0x3f: {  	[sflag:s31] =	ssyncpa.u1 $0x1  }
0x40: {  	p0 =	sne.s32 s0, $0x0;
	_ =	strace $0x90000047  }
0x41: {  	s0 =	sadd.s32 @!p0 $0x100000, s1;
	[bflag:$0x2] =	sbarrier.arrive $0xFFFF  }
0x42: {  	[sflag:s0] =	ssyncadd.tile.s32 @!p0 $0x1;
	_ =	shalt  }
.Lfunc_end1:
_tile_overlayer_lowered:
.L_overlay_start_2:
0x43: {  	(tag) =	ssettag $0x2  }
0x44: {  	s0 =	rddreg [dreg:$0x0];
	s2 =	stileid.u32  }
0x45: {  	s1 =	rddreg [dreg:$0x1];
	p0 =	sne.s32 s2, $0x0  }
0x46: {  	s3 =	rddreg [dreg:$0x2];
	[bflag:$0x3] =	sbarrier.arrive $0xFFFF;
	s2 =	simm.s32 @!p0 $0x1C01  }
0x47: {  	[timem:s3], [sflag:s2] =	dma.local @!p0 [hbm:s0], s1  }
0x48: {  	s0 =	simm.s32 @!p0 $0x1  }
0x49: {  	_ =	swait.ge @!p0 [sflag:s0], s1  }
0x4a: {  	s1 =	ssub.s32 @!p0 $0x0, s1;
	[sflag:s0] =	ssyncset.done @!p0 $0x0  }
0x4b: {  	[sflag:s0] =	ssyncadd.s32 @!p0 s1  }
0x4c: {  	[bflag:$0x3] =	sbarrier.arrive $0xFFFF  }
0x4d: {  	_ =	shalt  }

</sc_bundles>
